<compile_context>
chip_gen: v7x
topology: tpu7x:2x2x1
jax: 0.10.2.dev20260603
libtpu: 0.0.44.dev20260713+nightly
codegen_flags: <defaults>
</compile_context>

<pallas_src>
import functools

import jax
import jax.numpy as jnp
from jax import lax
from jax.experimental import pallas as pl
from jax.experimental.pallas import tpu as pltpu
from jax.experimental.pallas import tpu_sc as plsc

N_EMBED = 8192
EMBED_DIM = 32
ROWS = 1024
CODE_CHUNK = 1024
N_CHUNKS = N_EMBED // CODE_CHUNK

NC, NS = 2, 16
NW = NC * NS
B_TOT = 16 * 32 * 32
B_PER_W = B_TOT // NW
GCHUNK = 128
NGC = B_PER_W // GCHUNK
GDIM = 128


def _vq_tc_kernel(z_ref, w_ref, zs_ref, ws_ref, idx_ref, lsum_ref):
    z = z_ref[0].T
    rowz = zs_ref[0].T
    strip_min = []
    strip_arg = []
    for c in range(N_CHUNKS):
        wc = w_ref[pl.ds(c * CODE_CHUNK, CODE_CHUNK), :]
        roww = ws_ref[0, pl.ds(c * CODE_CHUNK, CODE_CHUNK)]
        mm = lax.dot_general(z, wc, (((1,), (1,)), ((), ())),
                             preferred_element_type=jnp.float32)
        d = (rowz + roww[None, :]) - 2.0 * mm
        cmin = jnp.min(d, axis=1, keepdims=True)
        ii = lax.broadcasted_iota(jnp.int32, d.shape, 1)
        carg = jnp.min(jnp.where(d == cmin, ii, N_EMBED), axis=1,
                       keepdims=True) + c * CODE_CHUNK
        if c % 4 == 0:
            strip_min.append(cmin)
            strip_arg.append(carg)
        else:
            take = cmin < strip_min[-1]
            strip_min[-1] = jnp.where(take, cmin, strip_min[-1])
            strip_arg[-1] = jnp.where(take, carg, strip_arg[-1])
    acc_b = strip_min[0].astype(jnp.bfloat16).astype(jnp.float32)
    acc_v = strip_min[0]
    bidx = strip_arg[0]
    for s in range(1, len(strip_min)):
        take = strip_min[s] < acc_b
        acc_b = jnp.where(take,
                          strip_min[s].astype(jnp.bfloat16).astype(jnp.float32),
                          acc_b)
        acc_v = jnp.where(take, strip_min[s], acc_v)
        bidx = jnp.where(take, strip_arg[s], bidx)
    idx_ref[0] = bidx.T
    bsum = jnp.sum(acc_v)
    i = pl.program_id(0)
    prev = jnp.where(i == 0, 0.0, lsum_ref[0, 0])
    lsum_ref[0, 0] = prev + bsum


def _tc_distance_argmin(zf, w, zsum, wsum):
    idx, lsum = pl.pallas_call(
        _vq_tc_kernel,
        grid=(16,),
        in_specs=[
            pl.BlockSpec((1, EMBED_DIM, ROWS), lambda i: (i, 0, 0)),
            pl.BlockSpec((N_EMBED, EMBED_DIM), lambda i: (0, 0)),
            pl.BlockSpec((1, 1, ROWS), lambda i: (i, 0, 0)),
            pl.BlockSpec((1, N_EMBED), lambda i: (0, 0)),
        ],
        out_specs=[
            pl.BlockSpec((1, 1, ROWS), lambda i: (i, 0, 0)),
            pl.BlockSpec((1, 1), lambda i: (0, 0), memory_space=pltpu.SMEM),
        ],
        out_shape=[
            jax.ShapeDtypeStruct((16, 1, ROWS), jnp.int32),
            jax.ShapeDtypeStruct((1, 1), jnp.float32),
        ],
    )(zf, w, zsum, wsum)
    return idx, lsum


def _sc_gather_build():
    mesh = plsc.VectorSubcoreMesh(core_axis_name="c", subcore_axis_name="s")

    @functools.partial(
        pl.kernel,
        mesh=mesh,
        out_type=jax.ShapeDtypeStruct((B_TOT, GDIM), jnp.float32),
        scratch_types=[
            pltpu.VMEM((NGC, GCHUNK), jnp.int32),
            pltpu.VMEM((B_PER_W, GDIM), jnp.float32),
            pltpu.SemaphoreType.DMA,
        ],
    )
    def gather(w_hbm, idx_hbm, out_hbm, idx_v, rows_v, sem):
        wid = lax.axis_index("s") * NC + lax.axis_index("c")
        pltpu.sync_copy(idx_hbm.at[wid], idx_v)
        for j in range(NGC):
            pltpu.async_copy(w_hbm.at[idx_v.at[j]],
                             rows_v.at[pl.ds(j * GCHUNK, GCHUNK)], sem).wait()
        pltpu.sync_copy(rows_v, out_hbm.at[pl.ds(wid * B_PER_W, B_PER_W)])

    return gather


def kernel(z, W):
    B, C, H, Wsp = z.shape
    zf = z.reshape(B, C, H * Wsp)
    zp4 = jnp.transpose(z, (0, 2, 3, 1))
    zsum = jnp.sum(zp4.reshape(B * H * Wsp, C) ** 2, axis=1).reshape(B, 1, H * Wsp)
    wsum = jnp.sum(W ** 2, axis=1).reshape(1, N_EMBED)
    idx, lsum = _tc_distance_argmin(zf, W, zsum, wsum)
    idx_w = idx.reshape(NW, NGC, GCHUNK)
    w_pad = jnp.pad(W, ((0, 0), (0, GDIM - EMBED_DIM)))
    zq_flat = _sc_gather_build()(w_pad, idx_w)[:, :EMBED_DIM]
    z_q = zp4 + (zq_flat.reshape(B, H, Wsp, C) - zp4)
    z_q = z_q.transpose(0, 3, 1, 2)
    loss = 2.0 * lsum[0, 0] / (B * C * H * Wsp)
    return (z_q, loss)

# --- scband reference (transcript-rebuilt; emitter-appended) ---
"""Pipeline reference for scband-vector-quantizer-62474594287943 (READ-ONLY COPY).

The authoritative reference and input builder live on the scoring server;
editing this copy changes nothing except your own understanding.
"""

import jax, jax.numpy as jnp
import numpy as np


def setup_inputs(seed: int = 0) -> dict:
    key = jax.random.key(seed)
    k1, k2 = jax.random.split(key)
    n_embed, embed_dim = 8192, 32
    z = jax.random.normal(k1, (16, 32, 32, 32), dtype=jnp.float32)
    W = jax.random.uniform(k2, (n_embed, embed_dim), minval=-1.0 / n_embed, maxval=1.0 / n_embed, dtype=jnp.float32)
    return {"z": z, "W": W}


def reference(z, W):
    beta = 1.0
    B, C, H, Wsp = z.shape
    zp = jnp.transpose(z, (0, 2, 3, 1))
    z_flat = zp.reshape(B * H * Wsp, C)
    d = (jnp.sum(z_flat ** 2, axis=1, keepdims=True)
         + jnp.sum(W ** 2, axis=1)
         - 2.0 * jnp.einsum('bd,dn->bn', z_flat, W.T))
    min_encoding_indices = jnp.argmin(d, axis=1)
    z_q = jnp.take(W, min_encoding_indices, axis=0).reshape(zp.shape)
    sg = jax.lax.stop_gradient
    loss = jnp.mean((sg(z_q) - zp) ** 2) + beta * jnp.mean((z_q - sg(zp)) ** 2)
    z_q = zp + sg(z_q - zp)
    z_q = jnp.transpose(z_q, (0, 3, 1, 2))
    return (z_q, loss)

if __name__ == "__main__":
    import jax
    _d = setup_inputs()
    print(jax.jit(kernel)(*tuple(_d.values())))

</pallas_src>

<mosaic_0001>
#map = affine_map<(d0, d1) -> (0, 0)>
#map1 = affine_map<(d0, d1) -> (0, 0, 0)>
module attributes {stable_mosaic.version = 14 : i64} {
  func.func @gather(%arg0: i32, %arg1: i32, %arg2: memref<8192x128xf32, #tpu.memory_space<hbm>>, %arg3: memref<32x4x128xi32, #tpu.memory_space<hbm>>, %arg4: memref<16384x128xf32, #tpu.memory_space<hbm>>, %arg5: memref<4x128xi32, #tpu.memory_space<vmem>>, %arg6: memref<512x128xf32, #tpu.memory_space<vmem>>, %arg7: memref<!tpu.dma_semaphore, #tpu.memory_space<semaphore_mem>>) attributes {dimension_semantics = [#tpu.dimension_semantics<core_parallel>, #tpu.dimension_semantics<subcore_parallel>], iteration_bounds = array<i64: 2, 16>, scalar_prefetch = 0 : i64, scratch_operands = 3 : i64, tpu.core_type = #tpu.core_type<sc_vector_subcore>, window_params = [{transform_indices = #map}, {transform_indices = #map1}, {transform_indices = #map}]} {
    %mul3A = arith.constant 2 : i32
    %mul3A_0 = arith.muli %arg1, %mul3A : i32
    %add3A = arith.addi %mul3A_0, %arg0 : i32
    "tpu.region"() ({
      %run_scoped3A = tpu.sem_alloc : memref<!tpu.dma_semaphore, #tpu.memory_space<semaphore_mem>>
      %dma_start3A_81 = arith.constant 0 : i32
      %dma_start3A_82 = arith.constant 0 : i32
      %dma_start3A_83 = tpu.memref_slice %arg3[%add3A, %dma_start3A_81, %dma_start3A_82] : memref<32x4x128xi32, #tpu.memory_space<hbm>> -> memref<1x4x128xi32, #tpu.memory_space<hbm>>
      %dma_start3A_84 = tpu.memref_squeeze %dma_start3A_83 : memref<1x4x128xi32, #tpu.memory_space<hbm>> -> memref<4x128xi32, #tpu.memory_space<hbm>>
      %dma_start3A_85 = arith.constant 0 : i32
      %dma_start3A_86 = arith.constant 0 : i32
      %dma_start3A_87 = tpu.memref_slice %arg3[%add3A, %dma_start3A_85, %dma_start3A_86] : memref<32x4x128xi32, #tpu.memory_space<hbm>> -> memref<1x4x128xi32, #tpu.memory_space<hbm>>
      %dma_start3A_88 = tpu.memref_squeeze %dma_start3A_87 : memref<1x4x128xi32, #tpu.memory_space<hbm>> -> memref<4x128xi32, #tpu.memory_space<hbm>>
      tpu.enqueue_dma source(%dma_start3A_88 : memref<4x128xi32, #tpu.memory_space<hbm>>) target(%arg5 : memref<4x128xi32, #tpu.memory_space<vmem>>) target_semaphore(%run_scoped3A : memref<!tpu.dma_semaphore, #tpu.memory_space<semaphore_mem>>)
      %dma_wait3A_89 = arith.constant 0 : i32
      %dma_wait3A_90 = arith.constant 0 : i32
      %dma_wait3A_91 = tpu.memref_slice %arg3[%add3A, %dma_wait3A_89, %dma_wait3A_90] : memref<32x4x128xi32, #tpu.memory_space<hbm>> -> memref<1x4x128xi32, #tpu.memory_space<hbm>>
      %dma_wait3A_92 = tpu.memref_squeeze %dma_wait3A_91 : memref<1x4x128xi32, #tpu.memory_space<hbm>> -> memref<4x128xi32, #tpu.memory_space<hbm>>
      %dma_wait3A_93 = arith.constant 0 : i32
      %dma_wait3A_94 = arith.constant 0 : i32
      %dma_wait3A_95 = tpu.memref_slice %arg3[%add3A, %dma_wait3A_93, %dma_wait3A_94] : memref<32x4x128xi32, #tpu.memory_space<hbm>> -> memref<1x4x128xi32, #tpu.memory_space<hbm>>
      %dma_wait3A_96 = tpu.memref_squeeze %dma_wait3A_95 : memref<1x4x128xi32, #tpu.memory_space<hbm>> -> memref<4x128xi32, #tpu.memory_space<hbm>>
      tpu.wait_dma2 semaphore(%run_scoped3A : memref<!tpu.dma_semaphore, #tpu.memory_space<semaphore_mem>>) src(%dma_wait3A_96 : memref<4x128xi32, #tpu.memory_space<hbm>>) dst(%arg5 : memref<4x128xi32, #tpu.memory_space<vmem>>)
      tpu.yield
    }) : () -> ()
    %dma_start3A = arith.constant 0 : i32
    %dma_start3A_1 = arith.constant 0 : i32
    %dma_start3A_2 = arith.constant 0 : i32
    %dma_start3A_3 = tpu.memref_slice %arg6[%dma_start3A_1, %dma_start3A_2] : memref<512x128xf32, #tpu.memory_space<vmem>> -> memref<128x128xf32, #tpu.memory_space<vmem>>
    %dma_start3A_4 = arith.constant 0 : i32
    %dma_start3A_5 = tpu.memref_slice %arg5[%dma_start3A, %dma_start3A_4] : memref<4x128xi32, #tpu.memory_space<vmem>> -> memref<1x128xi32, #tpu.memory_space<vmem>>
    %dma_start3A_6 = tpu.memref_squeeze %dma_start3A_5 : memref<1x128xi32, #tpu.memory_space<vmem>> -> memref<128xi32, #tpu.memory_space<vmem>>
    %dma_start3A_7 = arith.constant 0 : i32
    %dma_start3A_8 = arith.constant 0 : i32
    %dma_start3A_9 = tpu.memref_slice %arg2[%dma_start3A_7, %dma_start3A_8] : memref<8192x128xf32, #tpu.memory_space<hbm>> -> memref<8192x128xf32, #tpu.memory_space<hbm>>
    tpu.enqueue_indirect_dma source(%dma_start3A_9 : memref<8192x128xf32, #tpu.memory_space<hbm>>) target(%dma_start3A_3 : memref<128x128xf32, #tpu.memory_space<vmem>>) offsets(%dma_start3A_6 : memref<128xi32, #tpu.memory_space<vmem>>) semaphore(%arg7 : memref<!tpu.dma_semaphore, #tpu.memory_space<semaphore_mem>>)
    %dma_wait3A = arith.constant 0 : i32
    %dma_wait3A_10 = arith.constant 0 : i32
    %dma_wait3A_11 = arith.constant 0 : i32
    %dma_wait3A_12 = tpu.memref_slice %arg6[%dma_wait3A_10, %dma_wait3A_11] : memref<512x128xf32, #tpu.memory_space<vmem>> -> memref<128x128xf32, #tpu.memory_space<vmem>>
    %dma_wait3A_13 = arith.constant 0 : i32
    %dma_wait3A_14 = tpu.memref_slice %arg5[%dma_wait3A, %dma_wait3A_13] : memref<4x128xi32, #tpu.memory_space<vmem>> -> memref<1x128xi32, #tpu.memory_space<vmem>>
    %dma_wait3A_15 = tpu.memref_squeeze %dma_wait3A_14 : memref<1x128xi32, #tpu.memory_space<vmem>> -> memref<128xi32, #tpu.memory_space<vmem>>
    %dma_wait3A_16 = arith.constant 0 : i32
    %dma_wait3A_17 = arith.constant 0 : i32
    %dma_wait3A_18 = tpu.memref_slice %arg2[%dma_wait3A_16, %dma_wait3A_17] : memref<8192x128xf32, #tpu.memory_space<hbm>> -> memref<8192x128xf32, #tpu.memory_space<hbm>>
    tpu.wait_indirect_dma semaphore(%arg7 : memref<!tpu.dma_semaphore, #tpu.memory_space<semaphore_mem>>) src(%dma_wait3A_18 : memref<8192x128xf32, #tpu.memory_space<hbm>>) dst(%dma_wait3A_12 : memref<128x128xf32, #tpu.memory_space<vmem>>)
    %dma_start3A_19 = arith.constant 1 : i32
    %dma_start3A_20 = arith.constant 128 : i32
    %dma_start3A_21 = arith.constant 0 : i32
    %dma_start3A_22 = tpu.memref_slice %arg6[%dma_start3A_20, %dma_start3A_21] : memref<512x128xf32, #tpu.memory_space<vmem>> -> memref<128x128xf32, #tpu.memory_space<vmem>>
    %dma_start3A_23 = arith.constant 0 : i32
    %dma_start3A_24 = tpu.memref_slice %arg5[%dma_start3A_19, %dma_start3A_23] : memref<4x128xi32, #tpu.memory_space<vmem>> -> memref<1x128xi32, #tpu.memory_space<vmem>>
    %dma_start3A_25 = tpu.memref_squeeze %dma_start3A_24 : memref<1x128xi32, #tpu.memory_space<vmem>> -> memref<128xi32, #tpu.memory_space<vmem>>
    %dma_start3A_26 = arith.constant 0 : i32
    %dma_start3A_27 = arith.constant 0 : i32
    %dma_start3A_28 = tpu.memref_slice %arg2[%dma_start3A_26, %dma_start3A_27] : memref<8192x128xf32, #tpu.memory_space<hbm>> -> memref<8192x128xf32, #tpu.memory_space<hbm>>
    tpu.enqueue_indirect_dma source(%dma_start3A_28 : memref<8192x128xf32, #tpu.memory_space<hbm>>) target(%dma_start3A_22 : memref<128x128xf32, #tpu.memory_space<vmem>>) offsets(%dma_start3A_25 : memref<128xi32, #tpu.memory_space<vmem>>) semaphore(%arg7 : memref<!tpu.dma_semaphore, #tpu.memory_space<semaphore_mem>>)
    %dma_wait3A_29 = arith.constant 1 : i32
    %dma_wait3A_30 = arith.constant 128 : i32
    %dma_wait3A_31 = arith.constant 0 : i32
    %dma_wait3A_32 = tpu.memref_slice %arg6[%dma_wait3A_30, %dma_wait3A_31] : memref<512x128xf32, #tpu.memory_space<vmem>> -> memref<128x128xf32, #tpu.memory_space<vmem>>
    %dma_wait3A_33 = arith.constant 0 : i32
    %dma_wait3A_34 = tpu.memref_slice %arg5[%dma_wait3A_29, %dma_wait3A_33] : memref<4x128xi32, #tpu.memory_space<vmem>> -> memref<1x128xi32, #tpu.memory_space<vmem>>
    %dma_wait3A_35 = tpu.memref_squeeze %dma_wait3A_34 : memref<1x128xi32, #tpu.memory_space<vmem>> -> memref<128xi32, #tpu.memory_space<vmem>>
    %dma_wait3A_36 = arith.constant 0 : i32
    %dma_wait3A_37 = arith.constant 0 : i32
    %dma_wait3A_38 = tpu.memref_slice %arg2[%dma_wait3A_36, %dma_wait3A_37] : memref<8192x128xf32, #tpu.memory_space<hbm>> -> memref<8192x128xf32, #tpu.memory_space<hbm>>
    tpu.wait_indirect_dma semaphore(%arg7 : memref<!tpu.dma_semaphore, #tpu.memory_space<semaphore_mem>>) src(%dma_wait3A_38 : memref<8192x128xf32, #tpu.memory_space<hbm>>) dst(%dma_wait3A_32 : memref<128x128xf32, #tpu.memory_space<vmem>>)
    %dma_start3A_39 = arith.constant 2 : i32
    %dma_start3A_40 = arith.constant 256 : i32
    %dma_start3A_41 = arith.constant 0 : i32
    %dma_start3A_42 = tpu.memref_slice %arg6[%dma_start3A_40, %dma_start3A_41] : memref<512x128xf32, #tpu.memory_space<vmem>> -> memref<128x128xf32, #tpu.memory_space<vmem>>
    %dma_start3A_43 = arith.constant 0 : i32
    %dma_start3A_44 = tpu.memref_slice %arg5[%dma_start3A_39, %dma_start3A_43] : memref<4x128xi32, #tpu.memory_space<vmem>> -> memref<1x128xi32, #tpu.memory_space<vmem>>
    %dma_start3A_45 = tpu.memref_squeeze %dma_start3A_44 : memref<1x128xi32, #tpu.memory_space<vmem>> -> memref<128xi32, #tpu.memory_space<vmem>>
    %dma_start3A_46 = arith.constant 0 : i32
    %dma_start3A_47 = arith.constant 0 : i32
    %dma_start3A_48 = tpu.memref_slice %arg2[%dma_start3A_46, %dma_start3A_47] : memref<8192x128xf32, #tpu.memory_space<hbm>> -> memref<8192x128xf32, #tpu.memory_space<hbm>>
    tpu.enqueue_indirect_dma source(%dma_start3A_48 : memref<8192x128xf32, #tpu.memory_space<hbm>>) target(%dma_start3A_42 : memref<128x128xf32, #tpu.memory_space<vmem>>) offsets(%dma_start3A_45 : memref<128xi32, #tpu.memory_space<vmem>>) semaphore(%arg7 : memref<!tpu.dma_semaphore, #tpu.memory_space<semaphore_mem>>)
    %dma_wait3A_49 = arith.constant 2 : i32
    %dma_wait3A_50 = arith.constant 256 : i32
    %dma_wait3A_51 = arith.constant 0 : i32
    %dma_wait3A_52 = tpu.memref_slice %arg6[%dma_wait3A_50, %dma_wait3A_51] : memref<512x128xf32, #tpu.memory_space<vmem>> -> memref<128x128xf32, #tpu.memory_space<vmem>>
    %dma_wait3A_53 = arith.constant 0 : i32
    %dma_wait3A_54 = tpu.memref_slice %arg5[%dma_wait3A_49, %dma_wait3A_53] : memref<4x128xi32, #tpu.memory_space<vmem>> -> memref<1x128xi32, #tpu.memory_space<vmem>>
    %dma_wait3A_55 = tpu.memref_squeeze %dma_wait3A_54 : memref<1x128xi32, #tpu.memory_space<vmem>> -> memref<128xi32, #tpu.memory_space<vmem>>
    %dma_wait3A_56 = arith.constant 0 : i32
    %dma_wait3A_57 = arith.constant 0 : i32
    %dma_wait3A_58 = tpu.memref_slice %arg2[%dma_wait3A_56, %dma_wait3A_57] : memref<8192x128xf32, #tpu.memory_space<hbm>> -> memref<8192x128xf32, #tpu.memory_space<hbm>>
    tpu.wait_indirect_dma semaphore(%arg7 : memref<!tpu.dma_semaphore, #tpu.memory_space<semaphore_mem>>) src(%dma_wait3A_58 : memref<8192x128xf32, #tpu.memory_space<hbm>>) dst(%dma_wait3A_52 : memref<128x128xf32, #tpu.memory_space<vmem>>)
    %dma_start3A_59 = arith.constant 3 : i32
    %dma_start3A_60 = arith.constant 384 : i32
    %dma_start3A_61 = arith.constant 0 : i32
    %dma_start3A_62 = tpu.memref_slice %arg6[%dma_start3A_60, %dma_start3A_61] : memref<512x128xf32, #tpu.memory_space<vmem>> -> memref<128x128xf32, #tpu.memory_space<vmem>>
    %dma_start3A_63 = arith.constant 0 : i32
    %dma_start3A_64 = tpu.memref_slice %arg5[%dma_start3A_59, %dma_start3A_63] : memref<4x128xi32, #tpu.memory_space<vmem>> -> memref<1x128xi32, #tpu.memory_space<vmem>>
    %dma_start3A_65 = tpu.memref_squeeze %dma_start3A_64 : memref<1x128xi32, #tpu.memory_space<vmem>> -> memref<128xi32, #tpu.memory_space<vmem>>
    %dma_start3A_66 = arith.constant 0 : i32
    %dma_start3A_67 = arith.constant 0 : i32
    %dma_start3A_68 = tpu.memref_slice %arg2[%dma_start3A_66, %dma_start3A_67] : memref<8192x128xf32, #tpu.memory_space<hbm>> -> memref<8192x128xf32, #tpu.memory_space<hbm>>
    tpu.enqueue_indirect_dma source(%dma_start3A_68 : memref<8192x128xf32, #tpu.memory_space<hbm>>) target(%dma_start3A_62 : memref<128x128xf32, #tpu.memory_space<vmem>>) offsets(%dma_start3A_65 : memref<128xi32, #tpu.memory_space<vmem>>) semaphore(%arg7 : memref<!tpu.dma_semaphore, #tpu.memory_space<semaphore_mem>>)
    %dma_wait3A_69 = arith.constant 3 : i32
    %dma_wait3A_70 = arith.constant 384 : i32
    %dma_wait3A_71 = arith.constant 0 : i32
    %dma_wait3A_72 = tpu.memref_slice %arg6[%dma_wait3A_70, %dma_wait3A_71] : memref<512x128xf32, #tpu.memory_space<vmem>> -> memref<128x128xf32, #tpu.memory_space<vmem>>
    %dma_wait3A_73 = arith.constant 0 : i32
    %dma_wait3A_74 = tpu.memref_slice %arg5[%dma_wait3A_69, %dma_wait3A_73] : memref<4x128xi32, #tpu.memory_space<vmem>> -> memref<1x128xi32, #tpu.memory_space<vmem>>
    %dma_wait3A_75 = tpu.memref_squeeze %dma_wait3A_74 : memref<1x128xi32, #tpu.memory_space<vmem>> -> memref<128xi32, #tpu.memory_space<vmem>>
    %dma_wait3A_76 = arith.constant 0 : i32
    %dma_wait3A_77 = arith.constant 0 : i32
    %dma_wait3A_78 = tpu.memref_slice %arg2[%dma_wait3A_76, %dma_wait3A_77] : memref<8192x128xf32, #tpu.memory_space<hbm>> -> memref<8192x128xf32, #tpu.memory_space<hbm>>
    tpu.wait_indirect_dma semaphore(%arg7 : memref<!tpu.dma_semaphore, #tpu.memory_space<semaphore_mem>>) src(%dma_wait3A_78 : memref<8192x128xf32, #tpu.memory_space<hbm>>) dst(%dma_wait3A_72 : memref<128x128xf32, #tpu.memory_space<vmem>>)
    %mul3A_79 = arith.constant 512 : i32
    %mul3A_80 = arith.muli %add3A, %mul3A_79 : i32
    "tpu.region"() ({
      %run_scoped3A = tpu.sem_alloc : memref<!tpu.dma_semaphore, #tpu.memory_space<semaphore_mem>>
      %dma_start3A_81 = arith.constant 0 : i32
      %dma_start3A_82 = tpu.memref_slice %arg4[%mul3A_80, %dma_start3A_81] : memref<16384x128xf32, #tpu.memory_space<hbm>> -> memref<512x128xf32, #tpu.memory_space<hbm>>
      %dma_start3A_83 = arith.constant 0 : i32
      %dma_start3A_84 = tpu.memref_slice %arg4[%mul3A_80, %dma_start3A_83] : memref<16384x128xf32, #tpu.memory_space<hbm>> -> memref<512x128xf32, #tpu.memory_space<hbm>>
      tpu.enqueue_dma source(%arg6 : memref<512x128xf32, #tpu.memory_space<vmem>>) target(%dma_start3A_84 : memref<512x128xf32, #tpu.memory_space<hbm>>) target_semaphore(%run_scoped3A : memref<!tpu.dma_semaphore, #tpu.memory_space<semaphore_mem>>)
      %dma_wait3A_85 = arith.constant 0 : i32
      %dma_wait3A_86 = tpu.memref_slice %arg4[%mul3A_80, %dma_wait3A_85] : memref<16384x128xf32, #tpu.memory_space<hbm>> -> memref<512x128xf32, #tpu.memory_space<hbm>>
      %dma_wait3A_87 = arith.constant 0 : i32
      %dma_wait3A_88 = tpu.memref_slice %arg4[%mul3A_80, %dma_wait3A_87] : memref<16384x128xf32, #tpu.memory_space<hbm>> -> memref<512x128xf32, #tpu.memory_space<hbm>>
      tpu.wait_dma2 semaphore(%run_scoped3A : memref<!tpu.dma_semaphore, #tpu.memory_space<semaphore_mem>>) src(%arg6 : memref<512x128xf32, #tpu.memory_space<vmem>>) dst(%dma_wait3A_88 : memref<512x128xf32, #tpu.memory_space<hbm>>)
      tpu.yield
    }) : () -> ()
    return
  }
}

module attributes {stable_mosaic.version = 14 : i64} {
  func.func @_vq_tc_kernel(%arg0: i32, %arg1: memref<1x32x1024xf32, #tpu.memory_space<vmem>>, %arg2: memref<8192x32xf32, #tpu.memory_space<vmem>>, %arg3: memref<1x1x1024xf32, #tpu.memory_space<vmem>>, %arg4: memref<1x8192xf32, #tpu.memory_space<vmem>>, %arg5: memref<1x1x1024xi32, #tpu.memory_space<vmem>>, %arg6: memref<1x1xf32, #tpu.memory_space<smem>>) attributes {dimension_semantics = [#tpu.dimension_semantics<arbitrary>], iteration_bounds = array<i64: 16>, scalar_prefetch = 0 : i64, scratch_operands = 0 : i64, tpu.core_type = #tpu.core_type<tc>, window_params = [{transform_indices = @transform_0, window_bounds = array<i64: 1, 32, 1024>}, {pipeline_mode = #tpu.pipeline_mode<synchronous>, transform_indices = @transform_1, window_bounds = array<i64: 8192, 32>}, {transform_indices = @transform_2, window_bounds = array<i64: 1, 1, 1024>}, {pipeline_mode = #tpu.pipeline_mode<synchronous>, transform_indices = @transform_3, window_bounds = array<i64: 1, 8192>}, {transform_indices = @transform_4, window_bounds = array<i64: 1, 1, 1024>}, {transform_indices = @transform_5, window_bounds = array<i64: 1, 1>}]} {
    %get3A = arith.constant 0 : index
    %get3A_0 = arith.constant 0 : index
    %get3A_1 = arith.constant 0 : index
    %get3A_2 = vector.load %arg1[%get3A, %get3A_0, %get3A_1] : memref<1x32x1024xf32, #tpu.memory_space<vmem>>, vector<1x32x1024xf32>
    %get3A_3 = vector.shape_cast %get3A_2 : vector<1x32x1024xf32> to vector<32x1024xf32>
    %transpose3A = tpu.transpose %get3A_3, [1, 0] : vector<32x1024xf32> -> vector<1024x32xf32>
    %get3A_4 = arith.constant 0 : index
    %get3A_5 = arith.constant 0 : index
    %get3A_6 = arith.constant 0 : index
    %get3A_7 = vector.load %arg3[%get3A_4, %get3A_5, %get3A_6] : memref<1x1x1024xf32, #tpu.memory_space<vmem>>, vector<1x1x1024xf32>
    %get3A_8 = vector.shape_cast %get3A_7 : vector<1x1x1024xf32> to vector<1x1024xf32>
    %transpose3A_9 = tpu.transpose %get3A_8, [1, 0] : vector<1x1024xf32> -> vector<1024x1xf32>
    %get3A_10 = arith.constant 0 : index
    %get3A_11 = arith.constant 0 : index
    %get3A_12 = vector.load %arg2[%get3A_10, %get3A_11] : memref<8192x32xf32, #tpu.memory_space<vmem>>, vector<1024x32xf32>
    %get3A_13 = arith.constant 0 : index
    %get3A_14 = arith.constant 0 : index
    %get3A_15 = vector.load %arg4[%get3A_13, %get3A_14] : memref<1x8192xf32, #tpu.memory_space<vmem>>, vector<1x1024xf32>
    %get3A_16 = vector.shape_cast %get3A_15 : vector<1x1024xf32> to vector<1024xf32>
    %dot_general3A = arith.constant dense<0.000000e+00> : vector<1024x1024xf32>
    %dot_general3A_17 = tpu.matmul %transpose3A, %get3A_12, %dot_general3A {dimension_numbers = #tpu.dot_dimension_numbers<[1], [1], [0], [0], [0, 0, 1, 0], [], []>, transpose_lhs_hint = false} : vector<1024x32xf32>, vector<1024x32xf32>, vector<1024x1024xf32> -> vector<1024x1024xf32>
    %broadcast_in_dim3A = vector.shape_cast %get3A_16 : vector<1024xf32> to vector<1x1024xf32>
    %add3A = vector.broadcast %transpose3A_9 : vector<1024x1xf32> to vector<1024x1024xf32>
    %add3A_18 = vector.broadcast %broadcast_in_dim3A : vector<1x1024xf32> to vector<1024x1024xf32>
    %add3A_19 = arith.addf %add3A, %add3A_18 : vector<1024x1024xf32>
    %mul3A = arith.constant 2.000000e+00 : f32
    %mul3A_20 = vector.broadcast %mul3A : f32 to vector<1024x1024xf32>
    %mul3A_21 = arith.mulf %mul3A_20, %dot_general3A_17 : vector<1024x1024xf32>
    %sub3A = arith.subf %add3A_19, %mul3A_21 : vector<1024x1024xf32>
    %reduce_min3A = arith.constant dense<0x7F800000> : vector<1024xf32>
    %reduce_min3A_22 = vector.multi_reduction <minimumf>, %sub3A, %reduce_min3A [1] : vector<1024x1024xf32> to vector<1024xf32>
    %broadcast_in_dim3A_23 = vector.shape_cast %reduce_min3A_22 : vector<1024xf32> to vector<1024x1xf32>
    %iota3A = tpu.iota {dimensions = array<i32: 1>} : vector<1024x1024xi32>
    %eq3A = vector.broadcast %broadcast_in_dim3A_23 : vector<1024x1xf32> to vector<1024x1024xf32>
    %eq3A_24 = arith.cmpf oeq, %sub3A, %eq3A : vector<1024x1024xf32>
    %jit3A = arith.constant 8192 : i32
    %broadcast_in_dim3A_25 = vector.broadcast %jit3A : i32 to vector<1024x1024xi32>
    %select_n3A = arith.select %eq3A_24, %iota3A, %broadcast_in_dim3A_25 : vector<1024x1024xi1>, vector<1024x1024xi32>
    %reduce_min3A_26 = arith.constant dense<2147483647> : vector<1024xi32>
    %reduce_min3A_27 = vector.multi_reduction <minsi>, %select_n3A, %reduce_min3A_26 [1] : vector<1024x1024xi32> to vector<1024xi32>
    %broadcast_in_dim3A_28 = vector.shape_cast %reduce_min3A_27 : vector<1024xi32> to vector<1024x1xi32>
    %add3A_29 = arith.constant 0 : i32
    %add3A_30 = vector.broadcast %add3A_29 : i32 to vector<1024x1xi32>
    %add3A_31 = arith.addi %broadcast_in_dim3A_28, %add3A_30 : vector<1024x1xi32>
    %get3A_32 = arith.constant 1024 : index
    %get3A_33 = arith.constant 0 : index
    %get3A_34 = vector.load %arg2[%get3A_32, %get3A_33] : memref<8192x32xf32, #tpu.memory_space<vmem>>, vector<1024x32xf32>
    %get3A_35 = arith.constant 0 : index
    %get3A_36 = arith.constant 1024 : index
    %get3A_37 = vector.load %arg4[%get3A_35, %get3A_36] : memref<1x8192xf32, #tpu.memory_space<vmem>>, vector<1x1024xf32>
    %get3A_38 = vector.shape_cast %get3A_37 : vector<1x1024xf32> to vector<1024xf32>
    %dot_general3A_39 = arith.constant dense<0.000000e+00> : vector<1024x1024xf32>
    %dot_general3A_40 = tpu.matmul %transpose3A, %get3A_34, %dot_general3A_39 {dimension_numbers = #tpu.dot_dimension_numbers<[1], [1], [0], [0], [0, 0, 1, 0], [], []>, transpose_lhs_hint = false} : vector<1024x32xf32>, vector<1024x32xf32>, vector<1024x1024xf32> -> vector<1024x1024xf32>
    %broadcast_in_dim3A_41 = vector.shape_cast %get3A_38 : vector<1024xf32> to vector<1x1024xf32>
    %add3A_42 = vector.broadcast %transpose3A_9 : vector<1024x1xf32> to vector<1024x1024xf32>
    %add3A_43 = vector.broadcast %broadcast_in_dim3A_41 : vector<1x1024xf32> to vector<1024x1024xf32>
    %add3A_44 = arith.addf %add3A_42, %add3A_43 : vector<1024x1024xf32>
    %mul3A_45 = arith.constant 2.000000e+00 : f32
    %mul3A_46 = vector.broadcast %mul3A_45 : f32 to vector<1024x1024xf32>
    %mul3A_47 = arith.mulf %mul3A_46, %dot_general3A_40 : vector<1024x1024xf32>
    %sub3A_48 = arith.subf %add3A_44, %mul3A_47 : vector<1024x1024xf32>
    %reduce_min3A_49 = arith.constant dense<0x7F800000> : vector<1024xf32>
    %reduce_min3A_50 = vector.multi_reduction <minimumf>, %sub3A_48, %reduce_min3A_49 [1] : vector<1024x1024xf32> to vector<1024xf32>
    %broadcast_in_dim3A_51 = vector.shape_cast %reduce_min3A_50 : vector<1024xf32> to vector<1024x1xf32>
    %iota3A_52 = tpu.iota {dimensions = array<i32: 1>} : vector<1024x1024xi32>
    %eq3A_53 = vector.broadcast %broadcast_in_dim3A_51 : vector<1024x1xf32> to vector<1024x1024xf32>
    %eq3A_54 = arith.cmpf oeq, %sub3A_48, %eq3A_53 : vector<1024x1024xf32>
    %jit3A_55 = arith.constant 8192 : i32
    %broadcast_in_dim3A_56 = vector.broadcast %jit3A_55 : i32 to vector<1024x1024xi32>
    %select_n3A_57 = arith.select %eq3A_54, %iota3A_52, %broadcast_in_dim3A_56 : vector<1024x1024xi1>, vector<1024x1024xi32>
    %reduce_min3A_58 = arith.constant dense<2147483647> : vector<1024xi32>
    %reduce_min3A_59 = vector.multi_reduction <minsi>, %select_n3A_57, %reduce_min3A_58 [1] : vector<1024x1024xi32> to vector<1024xi32>
    %broadcast_in_dim3A_60 = vector.shape_cast %reduce_min3A_59 : vector<1024xi32> to vector<1024x1xi32>
    %add3A_61 = arith.constant 1024 : i32
    %add3A_62 = vector.broadcast %add3A_61 : i32 to vector<1024x1xi32>
    %add3A_63 = arith.addi %broadcast_in_dim3A_60, %add3A_62 : vector<1024x1xi32>
    %lt3A = arith.cmpf olt, %broadcast_in_dim3A_51, %broadcast_in_dim3A_23 : vector<1024x1xf32>
    %select_n3A_64 = arith.select %lt3A, %broadcast_in_dim3A_51, %broadcast_in_dim3A_23 : vector<1024x1xi1>, vector<1024x1xf32>
    %select_n3A_65 = arith.select %lt3A, %add3A_63, %add3A_31 : vector<1024x1xi1>, vector<1024x1xi32>
    %get3A_66 = arith.constant 2048 : index
    %get3A_67 = arith.constant 0 : index
    %get3A_68 = vector.load %arg2[%get3A_66, %get3A_67] : memref<8192x32xf32, #tpu.memory_space<vmem>>, vector<1024x32xf32>
    %get3A_69 = arith.constant 0 : index
    %get3A_70 = arith.constant 2048 : index
    %get3A_71 = vector.load %arg4[%get3A_69, %get3A_70] : memref<1x8192xf32, #tpu.memory_space<vmem>>, vector<1x1024xf32>
    %get3A_72 = vector.shape_cast %get3A_71 : vector<1x1024xf32> to vector<1024xf32>
    %dot_general3A_73 = arith.constant dense<0.000000e+00> : vector<1024x1024xf32>
    %dot_general3A_74 = tpu.matmul %transpose3A, %get3A_68, %dot_general3A_73 {dimension_numbers = #tpu.dot_dimension_numbers<[1], [1], [0], [0], [0, 0, 1, 0], [], []>, transpose_lhs_hint = false} : vector<1024x32xf32>, vector<1024x32xf32>, vector<1024x1024xf32> -> vector<1024x1024xf32>
    %broadcast_in_dim3A_75 = vector.shape_cast %get3A_72 : vector<1024xf32> to vector<1x1024xf32>
    %add3A_76 = vector.broadcast %transpose3A_9 : vector<1024x1xf32> to vector<1024x1024xf32>
    %add3A_77 = vector.broadcast %broadcast_in_dim3A_75 : vector<1x1024xf32> to vector<1024x1024xf32>
    %add3A_78 = arith.addf %add3A_76, %add3A_77 : vector<1024x1024xf32>
    %mul3A_79 = arith.constant 2.000000e+00 : f32
    %mul3A_80 = vector.broadcast %mul3A_79 : f32 to vector<1024x1024xf32>
    %mul3A_81 = arith.mulf %mul3A_80, %dot_general3A_74 : vector<1024x1024xf32>
    %sub3A_82 = arith.subf %add3A_78, %mul3A_81 : vector<1024x1024xf32>
    %reduce_min3A_83 = arith.constant dense<0x7F800000> : vector<1024xf32>
    %reduce_min3A_84 = vector.multi_reduction <minimumf>, %sub3A_82, %reduce_min3A_83 [1] : vector<1024x1024xf32> to vector<1024xf32>
    %broadcast_in_dim3A_85 = vector.shape_cast %reduce_min3A_84 : vector<1024xf32> to vector<1024x1xf32>
    %iota3A_86 = tpu.iota {dimensions = array<i32: 1>} : vector<1024x1024xi32>
    %eq3A_87 = vector.broadcast %broadcast_in_dim3A_85 : vector<1024x1xf32> to vector<1024x1024xf32>
    %eq3A_88 = arith.cmpf oeq, %sub3A_82, %eq3A_87 : vector<1024x1024xf32>
    %jit3A_89 = arith.constant 8192 : i32
    %broadcast_in_dim3A_90 = vector.broadcast %jit3A_89 : i32 to vector<1024x1024xi32>
    %select_n3A_91 = arith.select %eq3A_88, %iota3A_86, %broadcast_in_dim3A_90 : vector<1024x1024xi1>, vector<1024x1024xi32>
    %reduce_min3A_92 = arith.constant dense<2147483647> : vector<1024xi32>
    %reduce_min3A_93 = vector.multi_reduction <minsi>, %select_n3A_91, %reduce_min3A_92 [1] : vector<1024x1024xi32> to vector<1024xi32>
    %broadcast_in_dim3A_94 = vector.shape_cast %reduce_min3A_93 : vector<1024xi32> to vector<1024x1xi32>
    %add3A_95 = arith.constant 2048 : i32
    %add3A_96 = vector.broadcast %add3A_95 : i32 to vector<1024x1xi32>
    %add3A_97 = arith.addi %broadcast_in_dim3A_94, %add3A_96 : vector<1024x1xi32>
    %lt3A_98 = arith.cmpf olt, %broadcast_in_dim3A_85, %select_n3A_64 : vector<1024x1xf32>
    %select_n3A_99 = arith.select %lt3A_98, %broadcast_in_dim3A_85, %select_n3A_64 : vector<1024x1xi1>, vector<1024x1xf32>
    %select_n3A_100 = arith.select %lt3A_98, %add3A_97, %select_n3A_65 : vector<1024x1xi1>, vector<1024x1xi32>
    %get3A_101 = arith.constant 3072 : index
    %get3A_102 = arith.constant 0 : index
    %get3A_103 = vector.load %arg2[%get3A_101, %get3A_102] : memref<8192x32xf32, #tpu.memory_space<vmem>>, vector<1024x32xf32>
    %get3A_104 = arith.constant 0 : index
    %get3A_105 = arith.constant 3072 : index
    %get3A_106 = vector.load %arg4[%get3A_104, %get3A_105] : memref<1x8192xf32, #tpu.memory_space<vmem>>, vector<1x1024xf32>
    %get3A_107 = vector.shape_cast %get3A_106 : vector<1x1024xf32> to vector<1024xf32>
    %dot_general3A_108 = arith.constant dense<0.000000e+00> : vector<1024x1024xf32>
    %dot_general3A_109 = tpu.matmul %transpose3A, %get3A_103, %dot_general3A_108 {dimension_numbers = #tpu.dot_dimension_numbers<[1], [1], [0], [0], [0, 0, 1, 0], [], []>, transpose_lhs_hint = false} : vector<1024x32xf32>, vector<1024x32xf32>, vector<1024x1024xf32> -> vector<1024x1024xf32>
    %broadcast_in_dim3A_110 = vector.shape_cast %get3A_107 : vector<1024xf32> to vector<1x1024xf32>
    %add3A_111 = vector.broadcast %transpose3A_9 : vector<1024x1xf32> to vector<1024x1024xf32>
    %add3A_112 = vector.broadcast %broadcast_in_dim3A_110 : vector<1x1024xf32> to vector<1024x1024xf32>
    %add3A_113 = arith.addf %add3A_111, %add3A_112 : vector<1024x1024xf32>
    %mul3A_114 = arith.constant 2.000000e+00 : f32
    %mul3A_115 = vector.broadcast %mul3A_114 : f32 to vector<1024x1024xf32>
    %mul3A_116 = arith.mulf %mul3A_115, %dot_general3A_109 : vector<1024x1024xf32>
    %sub3A_117 = arith.subf %add3A_113, %mul3A_116 : vector<1024x1024xf32>
    %reduce_min3A_118 = arith.constant dense<0x7F800000> : vector<1024xf32>
    %reduce_min3A_119 = vector.multi_reduction <minimumf>, %sub3A_117, %reduce_min3A_118 [1] : vector<1024x1024xf32> to vector<1024xf32>
    %broadcast_in_dim3A_120 = vector.shape_cast %reduce_min3A_119 : vector<1024xf32> to vector<1024x1xf32>
    %iota3A_121 = tpu.iota {dimensions = array<i32: 1>} : vector<1024x1024xi32>
    %eq3A_122 = vector.broadcast %broadcast_in_dim3A_120 : vector<1024x1xf32> to vector<1024x1024xf32>
    %eq3A_123 = arith.cmpf oeq, %sub3A_117, %eq3A_122 : vector<1024x1024xf32>
    %jit3A_124 = arith.constant 8192 : i32
    %broadcast_in_dim3A_125 = vector.broadcast %jit3A_124 : i32 to vector<1024x1024xi32>
    %select_n3A_126 = arith.select %eq3A_123, %iota3A_121, %broadcast_in_dim3A_125 : vector<1024x1024xi1>, vector<1024x1024xi32>
    %reduce_min3A_127 = arith.constant dense<2147483647> : vector<1024xi32>
    %reduce_min3A_128 = vector.multi_reduction <minsi>, %select_n3A_126, %reduce_min3A_127 [1] : vector<1024x1024xi32> to vector<1024xi32>
    %broadcast_in_dim3A_129 = vector.shape_cast %reduce_min3A_128 : vector<1024xi32> to vector<1024x1xi32>
    %add3A_130 = arith.constant 3072 : i32
    %add3A_131 = vector.broadcast %add3A_130 : i32 to vector<1024x1xi32>
    %add3A_132 = arith.addi %broadcast_in_dim3A_129, %add3A_131 : vector<1024x1xi32>
    %lt3A_133 = arith.cmpf olt, %broadcast_in_dim3A_120, %select_n3A_99 : vector<1024x1xf32>
    %select_n3A_134 = arith.select %lt3A_133, %broadcast_in_dim3A_120, %select_n3A_99 : vector<1024x1xi1>, vector<1024x1xf32>
    %select_n3A_135 = arith.select %lt3A_133, %add3A_132, %select_n3A_100 : vector<1024x1xi1>, vector<1024x1xi32>
    %get3A_136 = arith.constant 4096 : index
    %get3A_137 = arith.constant 0 : index
    %get3A_138 = vector.load %arg2[%get3A_136, %get3A_137] : memref<8192x32xf32, #tpu.memory_space<vmem>>, vector<1024x32xf32>
    %get3A_139 = arith.constant 0 : index
    %get3A_140 = arith.constant 4096 : index
    %get3A_141 = vector.load %arg4[%get3A_139, %get3A_140] : memref<1x8192xf32, #tpu.memory_space<vmem>>, vector<1x1024xf32>
    %get3A_142 = vector.shape_cast %get3A_141 : vector<1x1024xf32> to vector<1024xf32>
    %dot_general3A_143 = arith.constant dense<0.000000e+00> : vector<1024x1024xf32>
    %dot_general3A_144 = tpu.matmul %transpose3A, %get3A_138, %dot_general3A_143 {dimension_numbers = #tpu.dot_dimension_numbers<[1], [1], [0], [0], [0, 0, 1, 0], [], []>, transpose_lhs_hint = false} : vector<1024x32xf32>, vector<1024x32xf32>, vector<1024x1024xf32> -> vector<1024x1024xf32>
    %broadcast_in_dim3A_145 = vector.shape_cast %get3A_142 : vector<1024xf32> to vector<1x1024xf32>
    %add3A_146 = vector.broadcast %transpose3A_9 : vector<1024x1xf32> to vector<1024x1024xf32>
    %add3A_147 = vector.broadcast %broadcast_in_dim3A_145 : vector<1x1024xf32> to vector<1024x1024xf32>
    %add3A_148 = arith.addf %add3A_146, %add3A_147 : vector<1024x1024xf32>
    %mul3A_149 = arith.constant 2.000000e+00 : f32
    %mul3A_150 = vector.broadcast %mul3A_149 : f32 to vector<1024x1024xf32>
    %mul3A_151 = arith.mulf %mul3A_150, %dot_general3A_144 : vector<1024x1024xf32>
    %sub3A_152 = arith.subf %add3A_148, %mul3A_151 : vector<1024x1024xf32>
    %reduce_min3A_153 = arith.constant dense<0x7F800000> : vector<1024xf32>
    %reduce_min3A_154 = vector.multi_reduction <minimumf>, %sub3A_152, %reduce_min3A_153 [1] : vector<1024x1024xf32> to vector<1024xf32>
    %broadcast_in_dim3A_155 = vector.shape_cast %reduce_min3A_154 : vector<1024xf32> to vector<1024x1xf32>
    %iota3A_156 = tpu.iota {dimensions = array<i32: 1>} : vector<1024x1024xi32>
    %eq3A_157 = vector.broadcast %broadcast_in_dim3A_155 : vector<1024x1xf32> to vector<1024x1024xf32>
    %eq3A_158 = arith.cmpf oeq, %sub3A_152, %eq3A_157 : vector<1024x1024xf32>
    %jit3A_159 = arith.constant 8192 : i32
    %broadcast_in_dim3A_160 = vector.broadcast %jit3A_159 : i32 to vector<1024x1024xi32>
    %select_n3A_161 = arith.select %eq3A_158, %iota3A_156, %broadcast_in_dim3A_160 : vector<1024x1024xi1>, vector<1024x1024xi32>
    %reduce_min3A_162 = arith.constant dense<2147483647> : vector<1024xi32>
    %reduce_min3A_163 = vector.multi_reduction <minsi>, %select_n3A_161, %reduce_min3A_162 [1] : vector<1024x1024xi32> to vector<1024xi32>
    %broadcast_in_dim3A_164 = vector.shape_cast %reduce_min3A_163 : vector<1024xi32> to vector<1024x1xi32>
    %add3A_165 = arith.constant 4096 : i32
    %add3A_166 = vector.broadcast %add3A_165 : i32 to vector<1024x1xi32>
    %add3A_167 = arith.addi %broadcast_in_dim3A_164, %add3A_166 : vector<1024x1xi32>
    %get3A_168 = arith.constant 5120 : index
    %get3A_169 = arith.constant 0 : index
    %get3A_170 = vector.load %arg2[%get3A_168, %get3A_169] : memref<8192x32xf32, #tpu.memory_space<vmem>>, vector<1024x32xf32>
    %get3A_171 = arith.constant 0 : index
    %get3A_172 = arith.constant 5120 : index
    %get3A_173 = vector.load %arg4[%get3A_171, %get3A_172] : memref<1x8192xf32, #tpu.memory_space<vmem>>, vector<1x1024xf32>
    %get3A_174 = vector.shape_cast %get3A_173 : vector<1x1024xf32> to vector<1024xf32>
    %dot_general3A_175 = arith.constant dense<0.000000e+00> : vector<1024x1024xf32>
    %dot_general3A_176 = tpu.matmul %transpose3A, %get3A_170, %dot_general3A_175 {dimension_numbers = #tpu.dot_dimension_numbers<[1], [1], [0], [0], [0, 0, 1, 0], [], []>, transpose_lhs_hint = false} : vector<1024x32xf32>, vector<1024x32xf32>, vector<1024x1024xf32> -> vector<1024x1024xf32>
    %broadcast_in_dim3A_177 = vector.shape_cast %get3A_174 : vector<1024xf32> to vector<1x1024xf32>
    %add3A_178 = vector.broadcast %transpose3A_9 : vector<1024x1xf32> to vector<1024x1024xf32>
    %add3A_179 = vector.broadcast %broadcast_in_dim3A_177 : vector<1x1024xf32> to vector<1024x1024xf32>
    %add3A_180 = arith.addf %add3A_178, %add3A_179 : vector<1024x1024xf32>
    %mul3A_181 = arith.constant 2.000000e+00 : f32
    %mul3A_182 = vector.broadcast %mul3A_181 : f32 to vector<1024x1024xf32>
    %mul3A_183 = arith.mulf %mul3A_182, %dot_general3A_176 : vector<1024x1024xf32>
    %sub3A_184 = arith.subf %add3A_180, %mul3A_183 : vector<1024x1024xf32>
    %reduce_min3A_185 = arith.constant dense<0x7F800000> : vector<1024xf32>
    %reduce_min3A_186 = vector.multi_reduction <minimumf>, %sub3A_184, %reduce_min3A_185 [1] : vector<1024x1024xf32> to vector<1024xf32>
    %broadcast_in_dim3A_187 = vector.shape_cast %reduce_min3A_186 : vector<1024xf32> to vector<1024x1xf32>
    %iota3A_188 = tpu.iota {dimensions = array<i32: 1>} : vector<1024x1024xi32>
    %eq3A_189 = vector.broadcast %broadcast_in_dim3A_187 : vector<1024x1xf32> to vector<1024x1024xf32>
    %eq3A_190 = arith.cmpf oeq, %sub3A_184, %eq3A_189 : vector<1024x1024xf32>
    %jit3A_191 = arith.constant 8192 : i32
    %broadcast_in_dim3A_192 = vector.broadcast %jit3A_191 : i32 to vector<1024x1024xi32>
    %select_n3A_193 = arith.select %eq3A_190, %iota3A_188, %broadcast_in_dim3A_192 : vector<1024x1024xi1>, vector<1024x1024xi32>
    %reduce_min3A_194 = arith.constant dense<2147483647> : vector<1024xi32>
    %reduce_min3A_195 = vector.multi_reduction <minsi>, %select_n3A_193, %reduce_min3A_194 [1] : vector<1024x1024xi32> to vector<1024xi32>
    %broadcast_in_dim3A_196 = vector.shape_cast %reduce_min3A_195 : vector<1024xi32> to vector<1024x1xi32>
    %add3A_197 = arith.constant 5120 : i32
    %add3A_198 = vector.broadcast %add3A_197 : i32 to vector<1024x1xi32>
    %add3A_199 = arith.addi %broadcast_in_dim3A_196, %add3A_198 : vector<1024x1xi32>
    %lt3A_200 = arith.cmpf olt, %broadcast_in_dim3A_187, %broadcast_in_dim3A_155 : vector<1024x1xf32>
    %select_n3A_201 = arith.select %lt3A_200, %broadcast_in_dim3A_187, %broadcast_in_dim3A_155 : vector<1024x1xi1>, vector<1024x1xf32>
    %select_n3A_202 = arith.select %lt3A_200, %add3A_199, %add3A_167 : vector<1024x1xi1>, vector<1024x1xi32>
    %get3A_203 = arith.constant 6144 : index
    %get3A_204 = arith.constant 0 : index
    %get3A_205 = vector.load %arg2[%get3A_203, %get3A_204] : memref<8192x32xf32, #tpu.memory_space<vmem>>, vector<1024x32xf32>
    %get3A_206 = arith.constant 0 : index
    %get3A_207 = arith.constant 6144 : index
    %get3A_208 = vector.load %arg4[%get3A_206, %get3A_207] : memref<1x8192xf32, #tpu.memory_space<vmem>>, vector<1x1024xf32>
    %get3A_209 = vector.shape_cast %get3A_208 : vector<1x1024xf32> to vector<1024xf32>
    %dot_general3A_210 = arith.constant dense<0.000000e+00> : vector<1024x1024xf32>
    %dot_general3A_211 = tpu.matmul %transpose3A, %get3A_205, %dot_general3A_210 {dimension_numbers = #tpu.dot_dimension_numbers<[1], [1], [0], [0], [0, 0, 1, 0], [], []>, transpose_lhs_hint = false} : vector<1024x32xf32>, vector<1024x32xf32>, vector<1024x1024xf32> -> vector<1024x1024xf32>
    %broadcast_in_dim3A_212 = vector.shape_cast %get3A_209 : vector<1024xf32> to vector<1x1024xf32>
    %add3A_213 = vector.broadcast %transpose3A_9 : vector<1024x1xf32> to vector<1024x1024xf32>
    %add3A_214 = vector.broadcast %broadcast_in_dim3A_212 : vector<1x1024xf32> to vector<1024x1024xf32>
    %add3A_215 = arith.addf %add3A_213, %add3A_214 : vector<1024x1024xf32>
    %mul3A_216 = arith.constant 2.000000e+00 : f32
    %mul3A_217 = vector.broadcast %mul3A_216 : f32 to vector<1024x1024xf32>
    %mul3A_218 = arith.mulf %mul3A_217, %dot_general3A_211 : vector<1024x1024xf32>
    %sub3A_219 = arith.subf %add3A_215, %mul3A_218 : vector<1024x1024xf32>
    %reduce_min3A_220 = arith.constant dense<0x7F800000> : vector<1024xf32>
    %reduce_min3A_221 = vector.multi_reduction <minimumf>, %sub3A_219, %reduce_min3A_220 [1] : vector<1024x1024xf32> to vector<1024xf32>
    %broadcast_in_dim3A_222 = vector.shape_cast %reduce_min3A_221 : vector<1024xf32> to vector<1024x1xf32>
    %iota3A_223 = tpu.iota {dimensions = array<i32: 1>} : vector<1024x1024xi32>
    %eq3A_224 = vector.broadcast %broadcast_in_dim3A_222 : vector<1024x1xf32> to vector<1024x1024xf32>
    %eq3A_225 = arith.cmpf oeq, %sub3A_219, %eq3A_224 : vector<1024x1024xf32>
    %jit3A_226 = arith.constant 8192 : i32
    %broadcast_in_dim3A_227 = vector.broadcast %jit3A_226 : i32 to vector<1024x1024xi32>
    %select_n3A_228 = arith.select %eq3A_225, %iota3A_223, %broadcast_in_dim3A_227 : vector<1024x1024xi1>, vector<1024x1024xi32>
    %reduce_min3A_229 = arith.constant dense<2147483647> : vector<1024xi32>
    %reduce_min3A_230 = vector.multi_reduction <minsi>, %select_n3A_228, %reduce_min3A_229 [1] : vector<1024x1024xi32> to vector<1024xi32>
    %broadcast_in_dim3A_231 = vector.shape_cast %reduce_min3A_230 : vector<1024xi32> to vector<1024x1xi32>
    %add3A_232 = arith.constant 6144 : i32
    %add3A_233 = vector.broadcast %add3A_232 : i32 to vector<1024x1xi32>
    %add3A_234 = arith.addi %broadcast_in_dim3A_231, %add3A_233 : vector<1024x1xi32>
    %lt3A_235 = arith.cmpf olt, %broadcast_in_dim3A_222, %select_n3A_201 : vector<1024x1xf32>
    %select_n3A_236 = arith.select %lt3A_235, %broadcast_in_dim3A_222, %select_n3A_201 : vector<1024x1xi1>, vector<1024x1xf32>
    %select_n3A_237 = arith.select %lt3A_235, %add3A_234, %select_n3A_202 : vector<1024x1xi1>, vector<1024x1xi32>
    %get3A_238 = arith.constant 7168 : index
    %get3A_239 = arith.constant 0 : index
    %get3A_240 = vector.load %arg2[%get3A_238, %get3A_239] : memref<8192x32xf32, #tpu.memory_space<vmem>>, vector<1024x32xf32>
    %get3A_241 = arith.constant 0 : index
    %get3A_242 = arith.constant 7168 : index
    %get3A_243 = vector.load %arg4[%get3A_241, %get3A_242] : memref<1x8192xf32, #tpu.memory_space<vmem>>, vector<1x1024xf32>
    %get3A_244 = vector.shape_cast %get3A_243 : vector<1x1024xf32> to vector<1024xf32>
    %dot_general3A_245 = arith.constant dense<0.000000e+00> : vector<1024x1024xf32>
    %dot_general3A_246 = tpu.matmul %transpose3A, %get3A_240, %dot_general3A_245 {dimension_numbers = #tpu.dot_dimension_numbers<[1], [1], [0], [0], [0, 0, 1, 0], [], []>, transpose_lhs_hint = false} : vector<1024x32xf32>, vector<1024x32xf32>, vector<1024x1024xf32> -> vector<1024x1024xf32>
    %broadcast_in_dim3A_247 = vector.shape_cast %get3A_244 : vector<1024xf32> to vector<1x1024xf32>
    %add3A_248 = vector.broadcast %transpose3A_9 : vector<1024x1xf32> to vector<1024x1024xf32>
    %add3A_249 = vector.broadcast %broadcast_in_dim3A_247 : vector<1x1024xf32> to vector<1024x1024xf32>
    %add3A_250 = arith.addf %add3A_248, %add3A_249 : vector<1024x1024xf32>
    %mul3A_251 = arith.constant 2.000000e+00 : f32
    %mul3A_252 = vector.broadcast %mul3A_251 : f32 to vector<1024x1024xf32>
    %mul3A_253 = arith.mulf %mul3A_252, %dot_general3A_246 : vector<1024x1024xf32>
    %sub3A_254 = arith.subf %add3A_250, %mul3A_253 : vector<1024x1024xf32>
    %reduce_min3A_255 = arith.constant dense<0x7F800000> : vector<1024xf32>
    %reduce_min3A_256 = vector.multi_reduction <minimumf>, %sub3A_254, %reduce_min3A_255 [1] : vector<1024x1024xf32> to vector<1024xf32>
    %broadcast_in_dim3A_257 = vector.shape_cast %reduce_min3A_256 : vector<1024xf32> to vector<1024x1xf32>
    %iota3A_258 = tpu.iota {dimensions = array<i32: 1>} : vector<1024x1024xi32>
    %eq3A_259 = vector.broadcast %broadcast_in_dim3A_257 : vector<1024x1xf32> to vector<1024x1024xf32>
    %eq3A_260 = arith.cmpf oeq, %sub3A_254, %eq3A_259 : vector<1024x1024xf32>
    %jit3A_261 = arith.constant 8192 : i32
    %broadcast_in_dim3A_262 = vector.broadcast %jit3A_261 : i32 to vector<1024x1024xi32>
    %select_n3A_263 = arith.select %eq3A_260, %iota3A_258, %broadcast_in_dim3A_262 : vector<1024x1024xi1>, vector<1024x1024xi32>
    %reduce_min3A_264 = arith.constant dense<2147483647> : vector<1024xi32>
    %reduce_min3A_265 = vector.multi_reduction <minsi>, %select_n3A_263, %reduce_min3A_264 [1] : vector<1024x1024xi32> to vector<1024xi32>
    %broadcast_in_dim3A_266 = vector.shape_cast %reduce_min3A_265 : vector<1024xi32> to vector<1024x1xi32>
    %add3A_267 = arith.constant 7168 : i32
    %add3A_268 = vector.broadcast %add3A_267 : i32 to vector<1024x1xi32>
    %add3A_269 = arith.addi %broadcast_in_dim3A_266, %add3A_268 : vector<1024x1xi32>
    %lt3A_270 = arith.cmpf olt, %broadcast_in_dim3A_257, %select_n3A_236 : vector<1024x1xf32>
    %select_n3A_271 = arith.select %lt3A_270, %broadcast_in_dim3A_257, %select_n3A_236 : vector<1024x1xi1>, vector<1024x1xf32>
    %select_n3A_272 = arith.select %lt3A_270, %add3A_269, %select_n3A_237 : vector<1024x1xi1>, vector<1024x1xi32>
    %convert_element_type3A = arith.truncf %select_n3A_134 : vector<1024x1xf32> to vector<1024x1xbf16>
    %convert_element_type3A_273 = arith.extf %convert_element_type3A : vector<1024x1xbf16> to vector<1024x1xf32>
    %lt3A_274 = arith.cmpf olt, %select_n3A_271, %convert_element_type3A_273 : vector<1024x1xf32>
    %select_n3A_275 = arith.select %lt3A_274, %select_n3A_271, %select_n3A_134 : vector<1024x1xi1>, vector<1024x1xf32>
    %select_n3A_276 = arith.select %lt3A_274, %select_n3A_272, %select_n3A_135 : vector<1024x1xi1>, vector<1024x1xi32>
    %transpose3A_277 = tpu.transpose %select_n3A_276, [1, 0] : vector<1024x1xi32> -> vector<1x1024xi32>
    %swap3A = arith.constant 0 : index
    %swap3A_278 = arith.constant 0 : index
    %swap3A_279 = arith.constant 0 : index
    %swap3A_280 = vector.load %arg5[%swap3A, %swap3A_278, %swap3A_279] : memref<1x1x1024xi32, #tpu.memory_space<vmem>>, vector<1x1x1024xi32>
    %swap3A_281 = vector.shape_cast %swap3A_280 : vector<1x1x1024xi32> to vector<1x1024xi32>
    %swap3A_282 = vector.shape_cast %transpose3A_277 : vector<1x1024xi32> to vector<1x1x1024xi32>
    tpu.vector_store %arg5[%swap3A, %swap3A_278, %swap3A_279], %swap3A_282 {strides = array<i32>} : memref<1x1x1024xi32, #tpu.memory_space<vmem>>, vector<1x1x1024xi32>,
    %reduce_sum3A = vector.shape_cast %select_n3A_275 : vector<1024x1xf32> to vector<1x1024x1xf32>
    %reduce_sum3A_283 = arith.constant dense<0.000000e+00> : vector<1xf32>
    %reduce_sum3A_284 = vector.multi_reduction <add>, %reduce_sum3A, %reduce_sum3A_283 [1, 2] : vector<1x1024x1xf32> to vector<1xf32>
    %reduce_sum3A_285 = vector.shape_cast %reduce_sum3A_284 : vector<1xf32> to vector<1x1x1xf32>
    %reduce_sum3A_286 = vector.extract %reduce_sum3A_285[0, 0, 0] : f32 from vector<1x1x1xf32>
    %eq3A_287 = arith.constant 0 : i32
    %eq3A_288 = arith.cmpi eq, %arg0, %eq3A_287 : i32
    %get3A_289 = arith.constant 0 : index
    %get3A_290 = arith.constant 0 : index
    %get3A_291 = memref.load %arg6[%get3A_289, %get3A_290] : memref<1x1xf32, #tpu.memory_space<smem>>
    %jit3A_292 = arith.constant 0.000000e+00 : f32
    %select_n3A_293 = arith.select %eq3A_288, %jit3A_292, %get3A_291 : f32
    %add3A_294 = arith.addf %select_n3A_293, %reduce_sum3A_286 : f32
    %swap3A_295 = arith.constant 0 : index
    %swap3A_296 = arith.constant 0 : index
    %swap3A_297 = memref.load %arg6[%swap3A_295, %swap3A_296] : memref<1x1xf32, #tpu.memory_space<smem>>
    memref.store %add3A_294, %arg6[%swap3A_295, %swap3A_296] : memref<1x1xf32, #tpu.memory_space<smem>>
    return
  }
  func.func @transform_0(%arg0: i32) -> (i32, i32, i32) {
    %c0_i32 = arith.constant 0 : i32
    %c0_i32_0 = arith.constant 0 : i32
    %c0_i32_1 = arith.constant 0 : i32
    return %arg0, %c0_i32, %c0_i32_0 : i32, i32, i32
  }
  func.func @transform_1(%arg0: i32) -> (i32, i32) {
    %c0_i32 = arith.constant 0 : i32
    %c0_i32_0 = arith.constant 0 : i32
    %c0_i32_1 = arith.constant 0 : i32
    return %c0_i32, %c0_i32_0 : i32, i32
  }
  func.func @transform_2(%arg0: i32) -> (i32, i32, i32) {
    %c0_i32 = arith.constant 0 : i32
    %c0_i32_0 = arith.constant 0 : i32
    %c0_i32_1 = arith.constant 0 : i32
    return %arg0, %c0_i32, %c0_i32_0 : i32, i32, i32
  }
  func.func @transform_3(%arg0: i32) -> (i32, i32) {
    %c0_i32 = arith.constant 0 : i32
    %c0_i32_0 = arith.constant 0 : i32
    %c0_i32_1 = arith.constant 0 : i32
    return %c0_i32, %c0_i32_0 : i32, i32
  }
  func.func @transform_4(%arg0: i32) -> (i32, i32, i32) {
    %c0_i32 = arith.constant 0 : i32
    %c0_i32_0 = arith.constant 0 : i32
    %c0_i32_1 = arith.constant 0 : i32
    return %arg0, %c0_i32, %c0_i32_0 : i32, i32, i32
  }
  func.func @transform_5(%arg0: i32) -> (i32, i32) {
    %c0_i32 = arith.constant 0 : i32
    %c0_i32_0 = arith.constant 0 : i32
    %c0_i32_1 = arith.constant 0 : i32
    return %c0_i32, %c0_i32_0 : i32, i32
  }
}

</mosaic_0001>

<sc_bundles>
// kernel: kernel.4.cloned.1.call-start
scs
__scs_entry_jumppad:
0x0: {  	(pc) =	sbr.rel $0x88, $3  }
0x1: {  	(tag) =	ssettag $0x0;
	lr =	simm.s32 $0x1  }
0x2: {  	[smem:$0x3F9F] =	sst lr;
	_ =	strace $0xD0000000  }
0x3: {  	_ = 	snop  }
0x4: {  	_ = 	snop  }
0x5: {  	_ = 	snop  }
0x6: {  	_ = 	snop  }
0x7: {  	_ = 	snop  }
__scs_overlays_trampoline_lowered:
0x8: {  	[smem:$0x3FAE] =	sst s0  }
0x9: {  	[smem:$0x3FAF] =	sst s1  }
0xa: {  	[smem:$0x3FB0] =	sst s2  }
0xb: {  	[smem:$0x3FB1] =	sst s3  }
0xc: {  	[smem:$0x3FB2] =	sst s4  }
0xd: {  	[smem:$0x3FB3] =	sst s5  }
0xe: {  	[smem:$0x3FB4] =	sst s6  }
0xf: {  	[smem:$0x3FB5] =	sst s7  }
0x10: {  	[smem:$0x3FB6] =	sst s8  }
0x11: {  	[smem:$0x3FB7] =	sst s9;
	s0 =	simm.s32 @!p0 $0x0  }
0x12: {  	s1 =	sld [smem:$0x3F9D];
	s0 =	simm.s32 @p0 $0x1  }
0x13: {  	[smem:$0x3FB8] =	sst s0;
	s0 =	simm.s32 @!p1 $0x0  }
0x14: {  	s2 =	sld [smem:$0x3F9C];
	s0 =	simm.s32 @p1 $0x1  }
0x15: {  	[smem:$0x3FB9] =	sst s0;
	s0 =	simm.s32 @!p2 $0x0  }
0x16: {  	s3 =	sld [smem:$0x3FDB];
	s0 =	simm.s32 @p2 $0x1  }
0x17: {  	s4 =	simm.s32 $0x1BF5;
	[smem:$0x3FBB] =	sst s0  }
0x18: {  	s0 =	sld [smem:$0x3F9E];
	_ =	swait.ge [sflag:s4], $0x0  }
0x19: {  	s7 =	sld [smem:$0x3F9F]  }
0x1a: {  	s8 =	sadd.s32 $0xFFFFE003, lr  }
0x1b: {  	s9 =	sadd.s32 $0xFFFFFEF7, lr;
	s5 =	simm.s32 $0xFFFFFFFF;
	p2 =	slt.u32 s8, $0xFFFFF086  }
0x1c: {  	p1 =	slt.u32 s9, $0xF7A;
	s5 =	simm.s32 @!p2 $0x0  }
0x1d: {  	s5 =	simm.s32 @p1 $0x1;
	p0 =	seq.s32 s7, s2  }
0x1e: {  	s7 =	smul.u32 @!p0 $0xF7A, s2;
	p2 =	seq.s32 @!p0 s5, $0x0  }
0x1f: {  	s9 =	smul.u32 $0xF7A, s1;
	s8 =	simm.s32 @!p0 $0x1BF5;
	p2 =	por !p2, p0  }
0x20: {  	[sflag:s8] =	ssyncset.s32 @!p0 $0xFFFFF086;
	s6 =	sadd.s32 @!p0 s3, s7;
	s7 =	simm.s32 @!p0 $0x108  }
0x21: {  	s3 =	sadd.s32 s3, s9;
	s6 =	sadd.s32 @!p0 $0x88, s6;
	s7 =	simm.s32 @p2 $0x1082  }
0x22: {  	[simem:s7], [sflag:s8] =	dma.local @!p0 [hbm:s6], $0xF7A  }
0x23: {  	s9 =	sor.u32 $0xD0000000, s2;
	s6 =	simm.s32 $0x108;
	_ =	swait.ge @!p0 [sflag:s8], $0x0  }
0x24: {  	s3 =	sadd.s32 $0x88, s3;
	s6 =	simm.s32 @!p1 $0x1082;
	[sflag:s4] =	ssyncset.s32 $0xFFFFF086  }
0x25: {  	[simem:s6], [sflag:s4] =	dma.local [hbm:s3], $0xF7A  }
0x26: {  	[smem:$0x3F9F] =	sst s1;
	(tag) =	ssettag s2;
	_ =	strace s9  }
0x27: {  	s1 =	sld [smem:$0x3FAF]  }
0x28: {  	s2 =	sld [smem:$0x3FB0]  }
0x29: {  	s4 =	sld [smem:$0x3FB2]  }
0x2a: {  	p0 =	seq.s32 s5, $0x0;
	s5 =	sld [smem:$0x3FB3]  }
0x2b: {  	s6 =	sld [smem:$0x3FB4]  }
0x2c: {  	s7 =	sld [smem:$0x3FB5]  }
0x2d: {  	s3 =	simm.s32 $0x108;
	s8 =	sld [smem:$0x3FB6]  }
0x2e: {  	s3 =	simm.s32 @!p0 $0x1082;
	s9 =	sld [smem:$0x3FB7]  }
0x2f: {  	lr =	sadd.s32 s0, s3;
	s0 =	sld [smem:$0x3FAE]  }
0x30: {  	s3 =	sld [smem:$0x3FB1]  }
0x31: {  	[smem:$0x3FBA] =	sst s10  }
0x32: {  	s10 =	sld [smem:$0x3FB8];
	_ =	sdelay $0x3  }
0x33: {  	p0 =	seq.s32 s10, $0x1;
	s10 =	sld [smem:$0x3FBA];
	_ =	sdelay $0x3  }
0x34: {  	[smem:$0x3FBA] =	sst s10  }
0x35: {  	s10 =	sld [smem:$0x3FB9];
	_ =	sdelay $0x3  }
0x36: {  	p1 =	seq.s32 s10, $0x1;
	s10 =	sld [smem:$0x3FBA];
	_ =	sdelay $0x3  }
0x37: {  	[smem:$0x3FBA] =	sst s10  }
0x38: {  	s10 =	sld [smem:$0x3FBB]  }
0x39: {  	_ = 	snop;
	(pc) =	sbr.ind lr, $3  }
0x3a: {  	_ = 	snop  }
0x3b: {  	_ = 	snop  }
0x3c: {  	p2 =	seq.s32 s10, $0x1;
	s10 =	sld [smem:$0x3FBA]  }
0x3d: {  	_ =	shalt  }
0x3e: {  	_ =	shalt  }
0x3f: {  	_ =	shalt  }
0x40: {  	_ =	shalt  }
0x41: {  	_ =	shalt  }
0x42: {  	_ =	shalt  }
0x43: {  	_ =	shalt  }
0x44: {  	_ =	shalt  }
0x45: {  	_ =	shalt  }
0x46: {  	_ =	shalt  }
0x47: {  	_ =	shalt  }
0x48: {  	_ =	shalt  }
0x49: {  	_ =	shalt  }
0x4a: {  	_ =	shalt  }
0x4b: {  	_ =	shalt  }
0x4c: {  	_ =	shalt  }
0x4d: {  	_ =	shalt  }
0x4e: {  	_ =	shalt  }
0x4f: {  	_ =	shalt  }
0x50: {  	_ =	shalt  }
0x51: {  	_ =	shalt  }
0x52: {  	_ =	shalt  }
0x53: {  	_ =	shalt  }
0x54: {  	_ =	shalt  }
0x55: {  	_ =	shalt  }
0x56: {  	_ =	shalt  }
0x57: {  	_ =	shalt  }
0x58: {  	_ =	shalt  }
0x59: {  	_ =	shalt  }
0x5a: {  	_ =	shalt  }
0x5b: {  	_ =	shalt  }
0x5c: {  	_ =	shalt  }
0x5d: {  	_ =	shalt  }
0x5e: {  	_ =	shalt  }
0x5f: {  	_ =	shalt  }
0x60: {  	_ =	shalt  }
0x61: {  	_ =	shalt  }
0x62: {  	_ =	shalt  }
0x63: {  	_ =	shalt  }
0x64: {  	_ =	shalt  }
0x65: {  	_ =	shalt  }
0x66: {  	_ =	shalt  }
0x67: {  	_ =	shalt  }
0x68: {  	_ =	shalt  }
0x69: {  	_ =	shalt  }
0x6a: {  	_ =	shalt  }
0x6b: {  	_ =	shalt  }
0x6c: {  	_ =	shalt  }
0x6d: {  	_ =	shalt  }
0x6e: {  	_ =	shalt  }
0x6f: {  	_ =	shalt  }
0x70: {  	_ =	shalt  }
0x71: {  	_ =	shalt  }
0x72: {  	_ =	shalt  }
0x73: {  	_ =	shalt  }
0x74: {  	_ =	shalt  }
0x75: {  	_ =	shalt  }
0x76: {  	_ =	shalt  }
0x77: {  	_ =	shalt  }
0x78: {  	_ =	shalt  }
0x79: {  	_ =	shalt  }
0x7a: {  	_ =	shalt  }
0x7b: {  	_ =	shalt  }
0x7c: {  	_ =	shalt  }
0x7d: {  	_ =	shalt  }
0x7e: {  	_ =	shalt  }
0x7f: {  	_ =	shalt  }
0x80: {  	_ =	shalt  }
0x81: {  	_ =	shalt  }
0x82: {  	_ =	shalt  }
0x83: {  	_ =	shalt  }
0x84: {  	_ =	shalt  }
0x85: {  	_ =	shalt  }
0x86: {  	_ =	shalt  }
0x87: {  	_ =	shalt  }
.Lfunc_end0:
.L_simem_size_0:
called_computation_lowered:
.L_overlay_start_0:
0x88: {  	s2 =	sld [smem:$0x3FD9]  }
0x89: {  	s3 =	sld [smem:$0x3FFE];
	_ =	sdelay $0x1  }
0x8a: {  	s1 =	srdreg.scid  }
0x8b: {  	s0 =	sand.u32 $0x1, s1  }
0x8c: {  	s14 =	sshll.u32 s0, $0xA;
	s2 =	sadd.s32 s3, s2  }
0x8d: {  	s2 =	sadd.s32 s2, s14  }
0x8e: {  	[smem:$0x3FC6] =	sst s2  }
0x8f: {  	_ = 	snop  }
0x90: {  	s2 =	sld [smem:$0x3FD0];
	_ =	sdelay $0x2  }
0x91: {  	s15 =	simm.s32 $0xA;
	s4 =	simm.s32 $0x10  }
0x92: {  	[smem:s4], [sflag:s15] =	dma.local [hbm:s2], $0x1  }
0x93: {  	_ =	swait.eq [sflag:s15], $0x1  }
0x94: {  	[sflag:s15] =	ssyncset.done $0x0  }
0x95: {  	[sflag:s15] =	ssyncadd.s32 $0xFFFFFFFF  }
0x96: {  	s16 =	sld [smem:$0x10];
	(tm) =	ssettm $0x1  }
0x97: {  	s17 =	sld [smem:$0x3FFB];
	_ =	sdelay $0x3  }
0x98: {  	_ =	strace s17  }
0x99: {  	s3 =	sld [smem:$0x3FFC];
	_ =	sdelay $0x3  }
0x9a: {  	_ =	strace s3  }
0x9b: {  	s3 =	sld [smem:$0x3FFD];
	_ =	sdelay $0x3  }
0x9c: {  	_ =	strace s3  }
0x9d: {  	_ =	strace $0x8FFFFFFF  }
0x9e: {  	s18 =	sld [smem:$0x3FDB];
	_ =	sdelay $0x1  }
0x9f: {  	s19 =	simm.s32 $_scs_section_size  }
0xa0: {  	s5 =	simm.s32 $_size__tile_overlayer_lowered;
	s6 =	simm.s32 $_tile_overlayer_lowered  }
0xa1: {  	s22 =	simm.s32 $0x1BFF;
	s21 =	sshll.u32 s6, $0x1;
	s3 =	sadd.s32 s19, s18  }
0xa2: {  	s7 =	simm.s32 $0x0;
	s20 =	sshll.u32 s5, $0x1;
	s5 =	sadd.s32 s21, s3  }
0xa3: {  	[timem:s7], [sflag:s22] =	dma.local [hbm:s5], s20  }
0xa4: {  	_ =	swait.ge [sflag:s22], s20  }
0xa5: {  	s4 =	ssub.s32 $0x0, s20;
	[sflag:s22] =	ssyncset.done $0x0  }
0xa6: {  	[sflag:s22] =	ssyncadd.s32 s4;
	_ =	sdelay $0x1  }
0xa7: {  	s23 =	simm.s32 $0x1B8B  }
0xa8: {  	_ =	swait.ge [sflag:s23], $0x1  }
0xa9: {  	[sflag:s23] =	ssyncset.done $0x0  }
0xaa: {  	s25 =	simm.s32 $0x1B8E;
	s24 =	sld [smem:$0x3FFE];
	[sflag:s23] =	ssyncadd.s32 $0xFFFFFFFF  }
0xab: {  	s26 =	simm.s32 $execute0_lowered;
	[smem:$0x3FD2] =	sst s25  }
0xac: {  	s5 =	sshll.u32 s26, $0x1;
	_ =	strace $0x80000046;
	[dreg:$0x1] =	wrdreg $0xFFFFFFFF  }
0xad: {  	s28 =	simm.s32 $_size_execute0_lowered;
	s3 =	sadd.s32 s3, s5;
	[dreg:$0x0] =	wrdreg $0x0  }
0xae: {  	s5 =	sshll.u32 s28, $0x1;
	[dreg:$0x2] =	wrdreg s3  }
0xaf: {  	[dreg:$0x3] =	wrdreg s5  }
0xb0: {  	[dreg:$0x4] =	wrdreg $0xC0  }
0xb1: {  	_ =	task [dreg:s7], $0x5FFFF  }
0xb2: {  	[dreg:$0x1] =	wrdreg $0xFFFFFFFF  }
0xb3: {  	[dreg:$0x0] =	wrdreg $0x60  }
0xb4: {  	[dreg:$0x2] =	wrdreg s24  }
0xb5: {  	[dreg:$0x3] =	wrdreg s16  }
0xb6: {  	[dreg:$0x4] =	wrdreg $0x9  }
0xb7: {  	_ =	task.clear_ibuf [dreg:s7], $0x5FFFF;
	_ =	strace $0x90000046  }
0xb8: {  	s29 =	simm.s32 $0x9;
	_ =	strace $0x80000048  }
0xb9: {  	_ =	swait.ge [sflag:s29], $0x1  }
0xba: {  	[sflag:s29] =	ssyncadd.s32 $0xFFFFFFFF  }
0xbb: {  	_ =	strace $0x90000048  }
0xbc: {  	_ =	sfence  }
0xbd: {  	s30 =	sld [smem:$0x0];
	_ =	sdelay $0x2  }
0xbe: {  	s31 =	sshll.u32 s1, $0xD;
	s1 =	sshrl.u32 s1, $0x2  }
0xbf: {  	s3 =	sand.u32 $0x4000, s31;
	s1 =	sadd.s32 s1, s30  }
0xc0: {  	s0 =	sor.u32 s3, s0;
	s1 =	sshll.u32 s1, $0x11  }
0xc1: {  	s0 =	sor.u32 s1, s0  }
0xc2: {  	s0 =	sadd.s32 $0x8F2B, s0  }
0xc3: {  	[sflag:s0] =	ssyncadd.remote.s32 $0x1  }
0xc4: {  	_ =	sfence.sel $0xFFFF  }
0xc5: {  	[dreg:$0x0] =	wrdreg $0xFFFFFFFF;
	(pc) =	sbr.abs _section_cstart, $3  }
0xc6: {  	[dreg:$0x1] =	wrdreg $0xFFFFFFFF  }
0xc7: {  	_ =	task.clear_ibuf [dreg:s7], $0x2FFFF;
	_ =	strace $0x9FFFFFFF  }
0xc8: {  	(tm) =	ssettm $0x7FFFFFFF  }
0xc9: {  	_ =	shalt  }
tec
execute0_lowered:
.L_overlay_start_1:
0x0: {  	(tag) =	ssettag $0x1  }
0x1: {  	s1 =	srdreg.scid  }
0x2: {  	s0 =	stileid.u32;
	s12 =	sand.u32 $0x1, s1  }
0x3: {  	s5 =	rddreg [dreg:$0x0];
	s30 =	sshll.u32 s0, $0xA;
	s2 =	sshll.u32 s12, $0x9  }
0x4: {  	s14 =	rddreg [dreg:$0x1];
	s15 =	sor.u32 s2, s30  }
0x5: {  	s1 =	rddreg [dreg:$0x2];
	s2 =	simm.s32 $0x0;
	s3 =	sshrl.u32 s15, $0x3  }
0x6: {  	[smem:$0x7FF] =	sst s2;
	s3 =	sadd.s32 s3, s5  }
0x7: {  	_ =	strace $0x80000047;
	s4 =	sadd.s32 $0x20200, s3;
	s3 =	simm.s32 $0x2  }
0x8: {  	[tilespmem:s2], [sflag:$0x2] =	stream.linear.gather [hbm4b:s4+s2], $0x200, $0x38;
	[tilespmem:$0x10200] =	vst v63  }
0x9: {  	_ =	swait.ge [sflag:s3], $0x200  }
0xa: {  	s6 =	simm.s32 $0x80;
	s7 =	simm.s32 $0x200;
	[sflag:s3] =	ssyncset.done $0x0  }
0xb: {  	s8 =	simm.s32 $0x1;
	s5 =	sadd.s32 $0x200, s5;
	[sflag:s3] =	ssyncadd.s32 $0xFFFFFE00  }
0xc: {  	[tilespmem:s7], [sflag:$0x1] =	stream.indirect.gather [hbm4b:s5+s6], $0x80, s2, s6, $0xb8;
	[tilespmem:$0x10200] =	vst v63  }
0xd: {  	_ =	swait.ge [sflag:s8], $0x4000  }
0xe: {  	[sflag:s8] =	ssyncset.done $0x0  }
0xf: {  	s9 =	simm.s32 $0x4200;
	[sflag:s8] =	ssyncadd.s32 $0xFFFFC000  }
0x10: {  	[tilespmem:s9], [sflag:$0x1] =	stream.indirect.gather [hbm4b:s5+s6], $0x80, s6, s6, $0xb8;
	[tilespmem:$0x10200] =	vst v63  }
0x11: {  	_ =	swait.ge [sflag:s8], $0x4000  }
0x12: {  	s10 =	simm.s32 $0x100;
	[sflag:s8] =	ssyncset.done $0x0  }
0x13: {  	s11 =	simm.s32 $0x8200;
	s16 =	ssub.s32 $0x2, s12;
	[sflag:s8] =	ssyncadd.s32 $0xFFFFC000  }
0x14: {  	[tilespmem:s11], [sflag:$0x1] =	stream.indirect.gather [hbm4b:s5+s6], $0x80, s10, s6, $0xb8;
	[tilespmem:$0x10200] =	vst v63  }
0x15: {  	s17 =	sshrl.u32 s16, $0x1;
	_ =	swait.ge [sflag:s8], $0x4000  }
0x16: {  	s13 =	simm.s32 $0xC200;
	s16 =	ssub.s32 s16, s17;
	[sflag:s8] =	ssyncset.done $0x0  }
0x17: {  	s12 =	simm.s32 $0x180;
	s31 =	smax.u32 s16, $0x1;
	[sflag:s8] =	ssyncadd.s32 $0xFFFFC000  }
0x18: {  	[tilespmem:s13], [sflag:$0x1] =	stream.indirect.gather [hbm4b:s5+s6], $0x80, s12, s6, $0xb8;
	[tilespmem:$0x10200] =	vst v63  }
0x19: {  	p0 =	sne.s32 s31, $0x1;
	_ =	swait.ge [sflag:s8], $0x4000  }
.Ltmp0:
0x1a: {  	s15 =	sshll.u32 s15, $0x4;
	[sflag:s8] =	ssyncset.done $0x0;
	(pc) =	sbr.rel @!p0 .LBB2_2-.Ltmp0, $4  }
0x1b: {  	s14 =	sadd.s32 s14, s15;
	[sflag:s8] =	ssyncadd.s32 $0xFFFFC000  }
0x1c: {  	[hbm4b:s14+s2] =	stream.linear.scatter [tilespmem:s7], [sflag:$0x2], $0x10000, $0x38;
	[tilespmem:$0x10200] =	vst v63  }
0x1d: {  	_ =	swait.ge [sflag:s3], $0x10000  }
0x1e: {  	s15 =	sadd.s32 $0xFFFFFFFF, s31;
	[sflag:s3] =	ssyncset.done $0x0  }
.LBB2_1:
0x1f: {  	p0 =	sne.s32 s15, $0x1;
	s15 =	sadd.s32 $0xFFFFFFFF, s15;
	[sflag:s3] =	ssyncadd.s32 $0xFFFF0000  }
0x20: {  	[tilespmem:s2], [sflag:$0x2] =	stream.linear.gather [hbm4b:s4+s2], $0x200, $0x38;
	[tilespmem:$0x10200] =	vst v63  }
0x21: {  	_ =	swait.ge [sflag:s3], $0x200  }
0x22: {  	[sflag:s3] =	ssyncset.done $0x0  }
0x23: {  	[sflag:s3] =	ssyncadd.s32 $0xFFFFFE00  }
0x24: {  	[tilespmem:s7], [sflag:$0x1] =	stream.indirect.gather [hbm4b:s5+s6], $0x80, s2, s6, $0xb8;
	[tilespmem:$0x10200] =	vst v63  }
0x25: {  	_ =	swait.ge [sflag:s8], $0x4000  }
0x26: {  	[sflag:s8] =	ssyncset.done $0x0  }
0x27: {  	[sflag:s8] =	ssyncadd.s32 $0xFFFFC000  }
0x28: {  	[tilespmem:s9], [sflag:$0x1] =	stream.indirect.gather [hbm4b:s5+s6], $0x80, s6, s6, $0xb8;
	[tilespmem:$0x10200] =	vst v63  }
0x29: {  	_ =	swait.ge [sflag:s8], $0x4000  }
0x2a: {  	[sflag:s8] =	ssyncset.done $0x0  }
0x2b: {  	[sflag:s8] =	ssyncadd.s32 $0xFFFFC000  }
0x2c: {  	[tilespmem:s11], [sflag:$0x1] =	stream.indirect.gather [hbm4b:s5+s6], $0x80, s10, s6, $0xb8;
	[tilespmem:$0x10200] =	vst v63  }
0x2d: {  	_ =	swait.ge [sflag:s8], $0x4000  }
0x2e: {  	[sflag:s8] =	ssyncset.done $0x0  }
0x2f: {  	[sflag:s8] =	ssyncadd.s32 $0xFFFFC000  }
0x30: {  	[tilespmem:s13], [sflag:$0x1] =	stream.indirect.gather [hbm4b:s5+s6], $0x80, s12, s6, $0xb8;
	[tilespmem:$0x10200] =	vst v63  }
0x31: {  	_ =	swait.ge [sflag:s8], $0x4000  }
.Ltmp1:
0x32: {  	[sflag:s8] =	ssyncset.done $0x0;
	(pc) =	sbr.rel @p0 .LBB2_1-.Ltmp1, $4  }
0x33: {  	[sflag:s8] =	ssyncadd.s32 $0xFFFFC000  }
0x34: {  	[hbm4b:s14+s2] =	stream.linear.scatter [tilespmem:s7], [sflag:$0x2], $0x10000, $0x38;
	[tilespmem:$0x10200] =	vst v63  }
0x35: {  	_ =	swait.ge [sflag:s3], $0x10000  }
0x36: {  	[sflag:s3] =	ssyncset.done $0x0  }
.LBB2_2:
0x37: {  	[sflag:s3] =	ssyncadd.s32 $0xFFFF0000  }
0x38: {  	_ =	sfence.sel $0x180000  }
0x39: {  	[bflag:$0x0] =	sbarrier.arrive $0xFFFF  }
0x3a: {  	p0 =	sne.s32 s0, $0x0;
	_ =	strace $0x90000047  }
0x3b: {  	s0 =	sadd.s32 @!p0 $0x100000, s1;
	[bflag:$0x2] =	sbarrier.arrive $0xFFFF  }
0x3c: {  	[sflag:s0] =	ssyncadd.tile.s32 @!p0 $0x1;
	_ =	shalt  }
.Lfunc_end2:
_tile_overlayer_lowered:
.L_overlay_start_2:
0x3d: {  	(tag) =	ssettag $0x2  }
0x3e: {  	s0 =	rddreg [dreg:$0x0];
	s2 =	stileid.u32  }
0x3f: {  	s1 =	rddreg [dreg:$0x1];
	p0 =	sne.s32 s2, $0x0  }
0x40: {  	s3 =	rddreg [dreg:$0x2];
	[bflag:$0x3] =	sbarrier.arrive $0xFFFF;
	s2 =	simm.s32 @!p0 $0x1C02  }
0x41: {  	[timem:s3], [sflag:s2] =	dma.local @!p0 [hbm:s0], s1  }
0x42: {  	s0 =	simm.s32 @!p0 $0x2  }
0x43: {  	_ =	swait.ge @!p0 [sflag:s0], s1  }
0x44: {  	s1 =	ssub.s32 @!p0 $0x0, s1;
	[sflag:s0] =	ssyncset.done @!p0 $0x0  }
0x45: {  	[sflag:s0] =	ssyncadd.s32 @!p0 s1  }
0x46: {  	[bflag:$0x3] =	sbarrier.arrive $0xFFFF  }
0x47: {  	_ =	shalt  }

</sc_bundles>
